<compile_context>
chip_gen: v7x
topology: tpu7x:2x2x1
jax: 0.10.2.dev20260603
libtpu: 0.0.44.dev20260713+nightly
codegen_flags: <defaults>
</compile_context>

<pallas_src>
import functools
import math

import jax
import jax.numpy as jnp
from jax import lax
from jax.experimental import pallas as pl
from jax.experimental.pallas import tpu as pltpu
from jax.experimental.pallas import tpu_sc as plsc

_N = 10000
_E = 320000
_D = 128
_N_LAYERS = 4
_ALPHA = 0.1
_LAMDA = 0.5

_NC = 2
_NS = 16
_NW = _NC * _NS

_CH = 128
_CPW = 80
_EPAD = _CH * _CPW * _NW
_NPH = 2
_PH = _CPW // _NPH
_RPW = _NPH * _PH

_NPAD = 10240
_RPT = _NPAD // _NS

_R = 1024
_GRID = _NPAD // _R



def _sc_agg_body(g_hbm, src_hbm, dst_hbm, zeros_hbm, out_hbm,
                 src_v, dst_v, bufa, bufb, acc, gsem, sema, semb):
    c = lax.axis_index("c")
    s = lax.axis_index("s")
    wid = c * _NS + s
    pltpu.sync_copy(zeros_hbm.at[pl.ds(s * _RPT, _RPT)],
                    acc.at[pl.ds(s * _RPT, _RPT)])
    plsc.subcore_barrier()

    for p in range(_NPH):
        pltpu.sync_copy(src_hbm.at[pl.ds(wid * _RPW + p * _PH, _PH)], src_v)
        pltpu.sync_copy(dst_hbm.at[pl.ds(wid * _RPW + p * _PH, _PH)], dst_v)

        def group(i, carry):
            j = 2 * i
            pltpu.async_copy(g_hbm.at[src_v.at[j]], bufa, gsem).wait()
            sa = pltpu.async_copy(bufa, acc.at[dst_v.at[j]], sema, add=True)
            pltpu.async_copy(g_hbm.at[src_v.at[j + 1]], bufb, gsem).wait()
            sa.wait()
            pltpu.async_copy(bufb, acc.at[dst_v.at[j + 1]], semb,
                             add=True).wait()
            return carry

        lax.fori_loop(0, _PH // 2, group, 0)
    plsc.subcore_barrier()
    pltpu.sync_copy(acc.at[pl.ds(s * _RPT, _RPT)],
                    out_hbm.at[pl.ds(c * _NPAD + s * _RPT, _RPT)])


@jax.jit
def _sc_agg(g, src4, dst4, zeros128):
    fn = pl.kernel(
        _sc_agg_body,
        out_type=jax.ShapeDtypeStruct((2 * _NPAD, _D), jnp.float32),
        mesh=plsc.VectorSubcoreMesh(core_axis_name="c", subcore_axis_name="s"),
        scratch_types=[
            pltpu.VMEM((_PH, _CH), jnp.int32),
            pltpu.VMEM((_PH, _CH), jnp.int32),
            pltpu.VMEM((_CH, _D), jnp.float32),
            pltpu.VMEM((_CH, _D), jnp.float32),
            pltpu.VMEM_SHARED((_NPAD, _D), jnp.float32),
            pltpu.SemaphoreType.DMA,
            pltpu.SemaphoreType.DMA,
            pltpu.SemaphoreType.DMA,
        ],
    )
    return fn(g, src4, dst4, zeros128)


def _sc_deg_body(dst_hbm, zeros_hbm, ones_hbm, out_hbm,
                 dst_v, ones_v, acc, sema, semb):
    c = lax.axis_index("c")
    s = lax.axis_index("s")
    wid = s * _NC + c
    pltpu.sync_copy(zeros_hbm.at[pl.ds(s * _RPT, _RPT)],
                    acc.at[pl.ds(s * _RPT, _RPT)])
    pltpu.sync_copy(dst_hbm.at[pl.ds(wid * _CPW, _CPW)], dst_v)
    pltpu.sync_copy(ones_hbm, ones_v)
    plsc.subcore_barrier()

    def group(i, carry):
        j = 2 * i
        sa = pltpu.async_copy(ones_v, acc.at[dst_v.at[j]], sema, add=True)
        sb = pltpu.async_copy(ones_v, acc.at[dst_v.at[j + 1]], semb, add=True)
        sa.wait()
        sb.wait()
        return carry

    lax.fori_loop(0, _CPW // 2, group, 0)
    plsc.subcore_barrier()
    pltpu.sync_copy(acc.at[pl.ds(s * _RPT, _RPT)],
                    out_hbm.at[pl.ds(c * _NPAD + s * _RPT, _RPT)])


@jax.jit
def _sc_degree(dst3, zeros128, ones128):
    fn = pl.kernel(
        _sc_deg_body,
        out_type=jax.ShapeDtypeStruct((2 * _NPAD, _D), jnp.float32),
        mesh=plsc.VectorSubcoreMesh(core_axis_name="c", subcore_axis_name="s"),
        scratch_types=[
            pltpu.VMEM((_CPW, _CH), jnp.int32),
            pltpu.VMEM((_CH, _D), jnp.float32),
            pltpu.VMEM_SHARED((_NPAD, _D), jnp.float32),
            pltpu.SemaphoreType.DMA,
            pltpu.SemaphoreType.DMA,
        ],
    )
    return fn(dst3, zeros128, ones128)



def _tc_h_body(f_ref, w_ref, b_ref, h0_ref):
    h = jnp.dot(f_ref[...], w_ref[...], preferred_element_type=jnp.float32)
    h0_ref[...] = jnp.maximum(h + b_ref[...], 0.0)


def _tc_h(features, W_in, b_in):
    return pl.pallas_call(
        _tc_h_body,
        grid=(_GRID,),
        in_specs=[
            pl.BlockSpec((_R, _D), lambda i: (i, 0)),
            pl.BlockSpec((_D, _D), lambda i: (0, 0)),
            pl.BlockSpec((1, _D), lambda i: (0, 0)),
        ],
        out_specs=pl.BlockSpec((_R, _D), lambda i: (i, 0)),
        out_shape=jax.ShapeDtypeStruct((_NPAD, _D), jnp.float32),
    )(features, W_in, b_in)


def _tc_g_body(h0_ref, degp_ref, g_ref, isd_ref):
    deg = degp_ref[0][:, 0:1] + degp_ref[1][:, 0:1] + 1.0
    isd = lax.rsqrt(deg)
    g_ref[...] = h0_ref[...] * isd
    isd_ref[...] = jnp.broadcast_to(isd, (_R, 16))


def _tc_g(h0, degp):
    return pl.pallas_call(
        _tc_g_body,
        grid=(_GRID,),
        in_specs=[
            pl.BlockSpec((_R, _D), lambda i: (i, 0)),
            [pl.BlockSpec((_R, _D), lambda i: (i, 0)),
             pl.BlockSpec((_R, _D), lambda i: (_GRID + i, 0))],
        ],
        out_specs=[
            pl.BlockSpec((_R, _D), lambda i: (i, 0)),
            pl.BlockSpec((_R, 16), lambda i: (i, 0)),
        ],
        out_shape=[
            jax.ShapeDtypeStruct((_NPAD, _D), jnp.float32),
            jax.ShapeDtypeStruct((_NPAD, 16), jnp.float32),
        ],
    )(h0, [degp, degp])


def _tc_layer_body(beta, p_ref, g_ref, h0_ref, isd_ref, w_ref, gout_ref):
    isd = isd_ref[:, 0:1]
    ssum = p_ref[0][...] + p_ref[1][...] + g_ref[...]
    support = (1.0 - _ALPHA) * (isd * ssum) + _ALPHA * h0_ref[...]
    sw = jnp.dot(support, w_ref[...], preferred_element_type=jnp.float32)
    h = jnp.maximum((1.0 - beta) * support + beta * sw, 0.0)
    gout_ref[...] = h * isd


def _tc_layer(beta, p, g, h0, isd, W):
    return pl.pallas_call(
        functools.partial(_tc_layer_body, beta),
        grid=(_GRID,),
        in_specs=[
            [pl.BlockSpec((_R, _D), lambda i: (i, 0)),
             pl.BlockSpec((_R, _D), lambda i: (_GRID + i, 0))],
            pl.BlockSpec((_R, _D), lambda i: (i, 0)),
            pl.BlockSpec((_R, _D), lambda i: (i, 0)),
            pl.BlockSpec((_R, 16), lambda i: (i, 0)),
            pl.BlockSpec((_D, _D), lambda i: (0, 0)),
        ],
        out_specs=pl.BlockSpec((_R, _D), lambda i: (i, 0)),
        out_shape=jax.ShapeDtypeStruct((_NPAD, _D), jnp.float32),
    )([p, p], g, h0, isd, W)


def _tc_final_body(beta, p_ref, g_ref, h0_ref, isd_ref, w_ref, wout_ref,
                   bout_ref, out_ref):
    isd = isd_ref[:, 0:1]
    ssum = p_ref[0][...] + p_ref[1][...] + g_ref[...]
    support = (1.0 - _ALPHA) * (isd * ssum) + _ALPHA * h0_ref[...]
    sw = jnp.dot(support, w_ref[...], preferred_element_type=jnp.float32)
    h = jnp.maximum((1.0 - beta) * support + beta * sw, 0.0)
    out = jnp.dot(h, wout_ref[...], preferred_element_type=jnp.float32)
    out_ref[...] = out + bout_ref[...]


def _tc_final(beta, p, g, h0, isd, W, W_out, b_out):
    return pl.pallas_call(
        functools.partial(_tc_final_body, beta),
        grid=(_GRID,),
        in_specs=[
            [pl.BlockSpec((_R, _D), lambda i: (i, 0)),
             pl.BlockSpec((_R, _D), lambda i: (_GRID + i, 0))],
            pl.BlockSpec((_R, _D), lambda i: (i, 0)),
            pl.BlockSpec((_R, _D), lambda i: (i, 0)),
            pl.BlockSpec((_R, 16), lambda i: (i, 0)),
            pl.BlockSpec((_D, _D), lambda i: (0, 0)),
            pl.BlockSpec((_D, _D), lambda i: (0, 0)),
            pl.BlockSpec((1, _D), lambda i: (0, 0)),
        ],
        out_specs=pl.BlockSpec((_R, _D), lambda i: (i, 0)),
        out_shape=jax.ShapeDtypeStruct((_N, _D), jnp.float32),
    )([p, p], g, h0, isd, W, W_out, b_out)



def kernel(features, edge_index, W_in, b_in, W_conv, W_out, b_out):
    src = edge_index[0]
    dst = edge_index[1]
    pad = jnp.full((_EPAD - _E,), _N, dtype=jnp.int32)
    src2 = jnp.concatenate([src, pad]).reshape(_EPAD // _CH, _CH)
    dst2 = jnp.concatenate([dst, pad]).reshape(_EPAD // _CH, _CH)
    src4 = src2
    dst4 = dst2
    zeros128 = jnp.zeros((_NPAD, _D), jnp.float32)
    ones128 = jnp.ones((_CH, _D), jnp.float32)
    fpad = jnp.zeros((_NPAD - _N, _D), jnp.float32)
    fpadded = jnp.concatenate([features, fpad], axis=0)

    h0 = _tc_h(fpadded, W_in, b_in.reshape(1, _D))
    degp = _sc_degree(dst2, zeros128, ones128)
    g, isd = _tc_g(h0, degp)
    out = None
    for l in range(_N_LAYERS):
        p = _sc_agg(g, src4, dst4, zeros128)
        beta = math.log(_LAMDA / (l + 1) + 1.0)
        if l < _N_LAYERS - 1:
            g = _tc_layer(beta, p, g, h0, isd, W_conv[l])
        else:
            out = _tc_final(beta, p, g, h0, isd, W_conv[l], W_out,
                            b_out.reshape(1, _D))
    return out

# --- scband reference (transcript-rebuilt; emitter-appended) ---
"""Pipeline reference for scband-gcnii-23132693856343 (READ-ONLY COPY).

The authoritative reference and input builder live on the scoring server;
editing this copy changes nothing except your own understanding.
"""

import jax, jax.numpy as jnp
import numpy as np

N = 10000
E = 320000
D_IN = 128
D_HID = 128
D_OUT = 128
N_LAYERS = 4
ALPHA = 0.1
LAMDA = 0.5

def setup_inputs(seed: int = 0):
    key = jax.random.key(seed)
    ks = jax.random.split(key, 8)
    features = jax.random.normal(ks[0], (N, D_IN), dtype=jnp.float32)
    edge_index = jax.random.randint(ks[1], (2, E), 0, N, dtype=jnp.int32)
    W_in = jax.random.normal(ks[2], (D_IN, D_HID), dtype=jnp.float32) / np.sqrt(D_IN)
    b_in = jnp.zeros((D_HID,), dtype=jnp.float32)
    W_conv = jax.random.normal(ks[3], (N_LAYERS, D_HID, D_HID), dtype=jnp.float32) / np.sqrt(D_HID)
    W_out = jax.random.normal(ks[4], (D_HID, D_OUT), dtype=jnp.float32) / np.sqrt(D_HID)
    b_out = jnp.zeros((D_OUT,), dtype=jnp.float32)
    return {"features": features, "edge_index": edge_index, "W_in": W_in, "b_in": b_in, "W_conv": W_conv, "W_out": W_out, "b_out": b_out}

def reference(features, edge_index, W_in, b_in, W_conv, W_out, b_out):
    src = edge_index[0]
    dst = edge_index[1]
    # symmetric GCN normalization with implicit self-loops
    deg = jnp.zeros((N,), dtype=jnp.float32).at[dst].add(1.0) + 1.0
    norm_e = 1.0 / jnp.sqrt(deg[src] * deg[dst])
    # input dense layer + activation (dropout p=0.0 -> identity in eval)
    h = jax.nn.relu(features @ W_in + b_in)
    h0 = h
    for l in range(N_LAYERS):
        # GraphConvII: propagate with normalized adjacency (incl. self-loop term)
        msg = h[src] * norm_e[:, None]
        agg = jnp.zeros_like(h).at[dst].add(msg) + h / deg[:, None]
        # initial residual connection
        support = (1.0 - ALPHA) * agg + ALPHA * h0
        # identity mapping with layer-dependent beta
        beta = float(np.log(LAMDA / (l + 1) + 1.0))
        h = (1.0 - beta) * support + beta * (support @ W_conv[l])
        h = jax.nn.relu(h)
    out = h @ W_out + b_out
    return out

if __name__ == "__main__":
    import jax
    _d = setup_inputs()
    print(jax.jit(kernel)(*tuple(_d.values())))

</pallas_src>

<mosaic_0001>
#map = affine_map<(d0, d1) -> (0, 0)>
module attributes {stable_mosaic.version = 14 : i64} {
  func.func @_sc_deg_body(%arg0: i32, %arg1: i32, %arg2: memref<2560x128xi32, #tpu.memory_space<hbm>>, %arg3: memref<10240x128xf32, #tpu.memory_space<hbm>>, %arg4: memref<128x128xf32, #tpu.memory_space<hbm>>, %arg5: memref<20480x128xf32, #tpu.memory_space<hbm>>, %arg6: memref<80x128xi32, #tpu.memory_space<vmem>>, %arg7: memref<128x128xf32, #tpu.memory_space<vmem>>, %arg8: memref<10240x128xf32, #tpu.memory_space<vmem_shared>>, %arg9: memref<!tpu.dma_semaphore, #tpu.memory_space<semaphore_mem>>, %arg10: memref<!tpu.dma_semaphore, #tpu.memory_space<semaphore_mem>>) attributes {dimension_semantics = [#tpu.dimension_semantics<core_parallel>, #tpu.dimension_semantics<subcore_parallel>], iteration_bounds = array<i64: 2, 16>, scalar_prefetch = 0 : i64, scratch_operands = 5 : i64, tpu.core_type = #tpu.core_type<sc_vector_subcore>, window_params = [{transform_indices = #map}, {transform_indices = #map}, {transform_indices = #map}, {transform_indices = #map}]} {
    %mul3A = arith.constant 2 : i32
    %mul3A_0 = arith.muli %arg1, %mul3A : i32
    %add3A = arith.addi %mul3A_0, %arg0 : i32
    %mul3A_1 = arith.constant 640 : i32
    %mul3A_2 = arith.muli %arg1, %mul3A_1 : i32
    %mul3A_3 = arith.constant 640 : i32
    %mul3A_4 = arith.muli %arg1, %mul3A_3 : i32
    "tpu.region"() ({
      %run_scoped3A = tpu.sem_alloc : memref<!tpu.dma_semaphore, #tpu.memory_space<semaphore_mem>>
      %dma_start3A = arith.constant 0 : i32
      %dma_start3A_20 = tpu.memref_slice %arg8[%mul3A_4, %dma_start3A] : memref<10240x128xf32, #tpu.memory_space<vmem_shared>> -> memref<640x128xf32, #tpu.memory_space<vmem_shared>>
      %dma_start3A_21 = arith.constant 0 : i32
      %dma_start3A_22 = tpu.memref_slice %arg3[%mul3A_2, %dma_start3A_21] : memref<10240x128xf32, #tpu.memory_space<hbm>> -> memref<640x128xf32, #tpu.memory_space<hbm>>
      tpu.enqueue_dma source(%dma_start3A_22 : memref<640x128xf32, #tpu.memory_space<hbm>>) target(%dma_start3A_20 : memref<640x128xf32, #tpu.memory_space<vmem_shared>>) target_semaphore(%run_scoped3A : memref<!tpu.dma_semaphore, #tpu.memory_space<semaphore_mem>>)
      %dma_wait3A = arith.constant 0 : i32
      %dma_wait3A_23 = tpu.memref_slice %arg8[%mul3A_4, %dma_wait3A] : memref<10240x128xf32, #tpu.memory_space<vmem_shared>> -> memref<640x128xf32, #tpu.memory_space<vmem_shared>>
      %dma_wait3A_24 = arith.constant 0 : i32
      %dma_wait3A_25 = tpu.memref_slice %arg3[%mul3A_2, %dma_wait3A_24] : memref<10240x128xf32, #tpu.memory_space<hbm>> -> memref<640x128xf32, #tpu.memory_space<hbm>>
      tpu.wait_dma2 semaphore(%run_scoped3A : memref<!tpu.dma_semaphore, #tpu.memory_space<semaphore_mem>>) src(%dma_wait3A_25 : memref<640x128xf32, #tpu.memory_space<hbm>>) dst(%dma_wait3A_23 : memref<640x128xf32, #tpu.memory_space<vmem_shared>>)
      tpu.yield
    }) : () -> ()
    %mul3A_5 = arith.constant 80 : i32
    %mul3A_6 = arith.muli %add3A, %mul3A_5 : i32
    "tpu.region"() ({
      %run_scoped3A = tpu.sem_alloc : memref<!tpu.dma_semaphore, #tpu.memory_space<semaphore_mem>>
      %dma_start3A = arith.constant 0 : i32
      %dma_start3A_20 = tpu.memref_slice %arg2[%mul3A_6, %dma_start3A] : memref<2560x128xi32, #tpu.memory_space<hbm>> -> memref<80x128xi32, #tpu.memory_space<hbm>>
      %dma_start3A_21 = arith.constant 0 : i32
      %dma_start3A_22 = tpu.memref_slice %arg2[%mul3A_6, %dma_start3A_21] : memref<2560x128xi32, #tpu.memory_space<hbm>> -> memref<80x128xi32, #tpu.memory_space<hbm>>
      tpu.enqueue_dma source(%dma_start3A_22 : memref<80x128xi32, #tpu.memory_space<hbm>>) target(%arg6 : memref<80x128xi32, #tpu.memory_space<vmem>>) target_semaphore(%run_scoped3A : memref<!tpu.dma_semaphore, #tpu.memory_space<semaphore_mem>>)
      %dma_wait3A = arith.constant 0 : i32
      %dma_wait3A_23 = tpu.memref_slice %arg2[%mul3A_6, %dma_wait3A] : memref<2560x128xi32, #tpu.memory_space<hbm>> -> memref<80x128xi32, #tpu.memory_space<hbm>>
      %dma_wait3A_24 = arith.constant 0 : i32
      %dma_wait3A_25 = tpu.memref_slice %arg2[%mul3A_6, %dma_wait3A_24] : memref<2560x128xi32, #tpu.memory_space<hbm>> -> memref<80x128xi32, #tpu.memory_space<hbm>>
      tpu.wait_dma2 semaphore(%run_scoped3A : memref<!tpu.dma_semaphore, #tpu.memory_space<semaphore_mem>>) src(%dma_wait3A_25 : memref<80x128xi32, #tpu.memory_space<hbm>>) dst(%arg6 : memref<80x128xi32, #tpu.memory_space<vmem>>)
      tpu.yield
    }) : () -> ()
    "tpu.region"() ({
      %run_scoped3A = tpu.sem_alloc : memref<!tpu.dma_semaphore, #tpu.memory_space<semaphore_mem>>
      tpu.enqueue_dma source(%arg4 : memref<128x128xf32, #tpu.memory_space<hbm>>) target(%arg7 : memref<128x128xf32, #tpu.memory_space<vmem>>) target_semaphore(%run_scoped3A : memref<!tpu.dma_semaphore, #tpu.memory_space<semaphore_mem>>)
      tpu.wait_dma2 semaphore(%run_scoped3A : memref<!tpu.dma_semaphore, #tpu.memory_space<semaphore_mem>>) src(%arg4 : memref<128x128xf32, #tpu.memory_space<hbm>>) dst(%arg7 : memref<128x128xf32, #tpu.memory_space<vmem>>)
      tpu.yield
    }) : () -> ()
    %barrier3A = arith.constant 0 : index
    tpu.barrier barrier_id(%barrier3A)
    %scan3A = arith.constant 0 : i32
    %scan3A_7 = arith.constant 0 : i32
    %scan3A_8 = arith.constant 40 : i32
    %scan3A_9 = arith.addi %scan3A_7, %scan3A_8 : i32
    %scan3A_10 = arith.constant 1 : i32
    scf.for %scan3A_20 = %scan3A_7 to %scan3A_9 step %scan3A_10  : i32 {
      %mul3A_21 = arith.constant 2 : i32
      %mul3A_22 = arith.muli %mul3A_21, %scan3A_20 : i32
      %dma_start3A = arith.constant 0 : i32
      %dma_start3A_23 = tpu.memref_slice %arg6[%mul3A_22, %dma_start3A] : memref<80x128xi32, #tpu.memory_space<vmem>> -> memref<1x128xi32, #tpu.memory_space<vmem>>
      %dma_start3A_24 = tpu.memref_squeeze %dma_start3A_23 : memref<1x128xi32, #tpu.memory_space<vmem>> -> memref<128xi32, #tpu.memory_space<vmem>>
      %dma_start3A_25 = arith.constant 0 : i32
      %dma_start3A_26 = arith.constant 0 : i32
      %dma_start3A_27 = tpu.memref_slice %arg8[%dma_start3A_25, %dma_start3A_26] : memref<10240x128xf32, #tpu.memory_space<vmem_shared>> -> memref<10240x128xf32, #tpu.memory_space<vmem_shared>>
      tpu.enqueue_indirect_dma source(%arg7 : memref<128x128xf32, #tpu.memory_space<vmem>>) target(%dma_start3A_27 : memref<10240x128xf32, #tpu.memory_space<vmem_shared>>) offsets(%dma_start3A_24 : memref<128xi32, #tpu.memory_space<vmem>>) semaphore(%arg9 : memref<!tpu.dma_semaphore, #tpu.memory_space<semaphore_mem>>) {add = true}
      %add3A_28 = arith.constant 1 : i32
      %add3A_29 = arith.addi %mul3A_22, %add3A_28 : i32
      %dma_start3A_30 = arith.constant 0 : i32
      %dma_start3A_31 = tpu.memref_slice %arg6[%add3A_29, %dma_start3A_30] : memref<80x128xi32, #tpu.memory_space<vmem>> -> memref<1x128xi32, #tpu.memory_space<vmem>>
      %dma_start3A_32 = tpu.memref_squeeze %dma_start3A_31 : memref<1x128xi32, #tpu.memory_space<vmem>> -> memref<128xi32, #tpu.memory_space<vmem>>
      %dma_start3A_33 = arith.constant 0 : i32
      %dma_start3A_34 = arith.constant 0 : i32
      %dma_start3A_35 = tpu.memref_slice %arg8[%dma_start3A_33, %dma_start3A_34] : memref<10240x128xf32, #tpu.memory_space<vmem_shared>> -> memref<10240x128xf32, #tpu.memory_space<vmem_shared>>
      tpu.enqueue_indirect_dma source(%arg7 : memref<128x128xf32, #tpu.memory_space<vmem>>) target(%dma_start3A_35 : memref<10240x128xf32, #tpu.memory_space<vmem_shared>>) offsets(%dma_start3A_32 : memref<128xi32, #tpu.memory_space<vmem>>) semaphore(%arg10 : memref<!tpu.dma_semaphore, #tpu.memory_space<semaphore_mem>>) {add = true}
      %dma_wait3A = arith.constant 0 : i32
      %dma_wait3A_36 = tpu.memref_slice %arg6[%mul3A_22, %dma_wait3A] : memref<80x128xi32, #tpu.memory_space<vmem>> -> memref<1x128xi32, #tpu.memory_space<vmem>>
      %dma_wait3A_37 = tpu.memref_squeeze %dma_wait3A_36 : memref<1x128xi32, #tpu.memory_space<vmem>> -> memref<128xi32, #tpu.memory_space<vmem>>
      %dma_wait3A_38 = arith.constant 0 : i32
      %dma_wait3A_39 = arith.constant 0 : i32
      %dma_wait3A_40 = tpu.memref_slice %arg8[%dma_wait3A_38, %dma_wait3A_39] : memref<10240x128xf32, #tpu.memory_space<vmem_shared>> -> memref<10240x128xf32, #tpu.memory_space<vmem_shared>>
      tpu.wait_indirect_dma semaphore(%arg9 : memref<!tpu.dma_semaphore, #tpu.memory_space<semaphore_mem>>) src(%arg7 : memref<128x128xf32, #tpu.memory_space<vmem>>) dst(%dma_wait3A_40 : memref<10240x128xf32, #tpu.memory_space<vmem_shared>>)
      %dma_wait3A_41 = arith.constant 0 : i32
      %dma_wait3A_42 = tpu.memref_slice %arg6[%add3A_29, %dma_wait3A_41] : memref<80x128xi32, #tpu.memory_space<vmem>> -> memref<1x128xi32, #tpu.memory_space<vmem>>
      %dma_wait3A_43 = tpu.memref_squeeze %dma_wait3A_42 : memref<1x128xi32, #tpu.memory_space<vmem>> -> memref<128xi32, #tpu.memory_space<vmem>>
      %dma_wait3A_44 = arith.constant 0 : i32
      %dma_wait3A_45 = arith.constant 0 : i32
      %dma_wait3A_46 = tpu.memref_slice %arg8[%dma_wait3A_44, %dma_wait3A_45] : memref<10240x128xf32, #tpu.memory_space<vmem_shared>> -> memref<10240x128xf32, #tpu.memory_space<vmem_shared>>
      tpu.wait_indirect_dma semaphore(%arg10 : memref<!tpu.dma_semaphore, #tpu.memory_space<semaphore_mem>>) src(%arg7 : memref<128x128xf32, #tpu.memory_space<vmem>>) dst(%dma_wait3A_46 : memref<10240x128xf32, #tpu.memory_space<vmem_shared>>)
    }
    %scan3A_11 = arith.constant 40 : i32
    %barrier3A_12 = arith.constant 0 : index
    tpu.barrier barrier_id(%barrier3A_12)
    %mul3A_13 = arith.constant 640 : i32
    %mul3A_14 = arith.muli %arg1, %mul3A_13 : i32
    %mul3A_15 = arith.constant 10240 : i32
    %mul3A_16 = arith.muli %arg0, %mul3A_15 : i32
    %mul3A_17 = arith.constant 640 : i32
    %mul3A_18 = arith.muli %arg1, %mul3A_17 : i32
    %add3A_19 = arith.addi %mul3A_16, %mul3A_18 : i32
    "tpu.region"() ({
      %run_scoped3A = tpu.sem_alloc : memref<!tpu.dma_semaphore, #tpu.memory_space<semaphore_mem>>
      %dma_start3A = arith.constant 0 : i32
      %dma_start3A_20 = tpu.memref_slice %arg5[%add3A_19, %dma_start3A] : memref<20480x128xf32, #tpu.memory_space<hbm>> -> memref<640x128xf32, #tpu.memory_space<hbm>>
      %dma_start3A_21 = arith.constant 0 : i32
      %dma_start3A_22 = tpu.memref_slice %arg8[%mul3A_14, %dma_start3A_21] : memref<10240x128xf32, #tpu.memory_space<vmem_shared>> -> memref<640x128xf32, #tpu.memory_space<vmem_shared>>
      tpu.enqueue_dma source(%dma_start3A_22 : memref<640x128xf32, #tpu.memory_space<vmem_shared>>) target(%dma_start3A_20 : memref<640x128xf32, #tpu.memory_space<hbm>>) target_semaphore(%run_scoped3A : memref<!tpu.dma_semaphore, #tpu.memory_space<semaphore_mem>>)
      %dma_wait3A = arith.constant 0 : i32
      %dma_wait3A_23 = tpu.memref_slice %arg5[%add3A_19, %dma_wait3A] : memref<20480x128xf32, #tpu.memory_space<hbm>> -> memref<640x128xf32, #tpu.memory_space<hbm>>
      %dma_wait3A_24 = arith.constant 0 : i32
      %dma_wait3A_25 = tpu.memref_slice %arg8[%mul3A_14, %dma_wait3A_24] : memref<10240x128xf32, #tpu.memory_space<vmem_shared>> -> memref<640x128xf32, #tpu.memory_space<vmem_shared>>
      tpu.wait_dma2 semaphore(%run_scoped3A : memref<!tpu.dma_semaphore, #tpu.memory_space<semaphore_mem>>) src(%dma_wait3A_25 : memref<640x128xf32, #tpu.memory_space<vmem_shared>>) dst(%dma_wait3A_23 : memref<640x128xf32, #tpu.memory_space<hbm>>)
      tpu.yield
    }) : () -> ()
    return
  }
}

</mosaic_0001>

<sc_bundles>
// kernel: _sc_degree.3.cloned.1.call-start
scs
__scs_entry_jumppad:
0x0: {  	(pc) =	sbr.rel $0x88, $3  }
0x1: {  	(tag) =	ssettag $0x0;
	lr =	simm.s32 $0x1  }
0x2: {  	[smem:$0x3F9E] =	sst lr;
	_ =	strace $0xD0000000  }
0x3: {  	_ = 	snop  }
0x4: {  	_ = 	snop  }
0x5: {  	_ = 	snop  }
0x6: {  	_ = 	snop  }
0x7: {  	_ = 	snop  }
__scs_overlays_trampoline_lowered:
0x8: {  	[smem:$0x3FAD] =	sst s0  }
0x9: {  	[smem:$0x3FAE] =	sst s1  }
0xa: {  	[smem:$0x3FAF] =	sst s2  }
0xb: {  	[smem:$0x3FB0] =	sst s3  }
0xc: {  	[smem:$0x3FB1] =	sst s4  }
0xd: {  	[smem:$0x3FB2] =	sst s5  }
0xe: {  	[smem:$0x3FB3] =	sst s6  }
0xf: {  	[smem:$0x3FB4] =	sst s7  }
0x10: {  	[smem:$0x3FB5] =	sst s8  }
0x11: {  	[smem:$0x3FB6] =	sst s9;
	s0 =	simm.s32 @!p0 $0x0  }
0x12: {  	s1 =	sld [smem:$0x3F9C];
	s0 =	simm.s32 @p0 $0x1  }
0x13: {  	[smem:$0x3FB7] =	sst s0;
	s0 =	simm.s32 @!p1 $0x0  }
0x14: {  	s2 =	sld [smem:$0x3F9B];
	s0 =	simm.s32 @p1 $0x1  }
0x15: {  	[smem:$0x3FB8] =	sst s0;
	s0 =	simm.s32 @!p2 $0x0  }
0x16: {  	s3 =	sld [smem:$0x3FDB];
	s0 =	simm.s32 @p2 $0x1  }
0x17: {  	s4 =	simm.s32 $0x1BF5;
	[smem:$0x3FBA] =	sst s0  }
0x18: {  	s0 =	sld [smem:$0x3F9D];
	_ =	swait.ge [sflag:s4], $0x0  }
0x19: {  	s7 =	sld [smem:$0x3F9E]  }
0x1a: {  	s8 =	sadd.s32 $0xFFFFE003, lr  }
0x1b: {  	s9 =	sadd.s32 $0xFFFFFEF7, lr;
	s5 =	simm.s32 $0xFFFFFFFF;
	p2 =	slt.u32 s8, $0xFFFFF086  }
0x1c: {  	p1 =	slt.u32 s9, $0xF7A;
	s5 =	simm.s32 @!p2 $0x0  }
0x1d: {  	s5 =	simm.s32 @p1 $0x1;
	p0 =	seq.s32 s7, s2  }
0x1e: {  	s7 =	smul.u32 @!p0 $0xF7A, s2;
	p2 =	seq.s32 @!p0 s5, $0x0  }
0x1f: {  	s9 =	smul.u32 $0xF7A, s1;
	s8 =	simm.s32 @!p0 $0x1BF5;
	p2 =	por !p2, p0  }
0x20: {  	[sflag:s8] =	ssyncset.s32 @!p0 $0xFFFFF086;
	s6 =	sadd.s32 @!p0 s3, s7;
	s7 =	simm.s32 @!p0 $0x108  }
0x21: {  	s3 =	sadd.s32 s3, s9;
	s6 =	sadd.s32 @!p0 $0x88, s6;
	s7 =	simm.s32 @p2 $0x1082  }
0x22: {  	[simem:s7], [sflag:s8] =	dma.local @!p0 [hbm:s6], $0xF7A  }
0x23: {  	s9 =	sor.u32 $0xD0000000, s2;
	s6 =	simm.s32 $0x108;
	_ =	swait.ge @!p0 [sflag:s8], $0x0  }
0x24: {  	s3 =	sadd.s32 $0x88, s3;
	s6 =	simm.s32 @!p1 $0x1082;
	[sflag:s4] =	ssyncset.s32 $0xFFFFF086  }
0x25: {  	[simem:s6], [sflag:s4] =	dma.local [hbm:s3], $0xF7A  }
0x26: {  	[smem:$0x3F9E] =	sst s1;
	(tag) =	ssettag s2;
	_ =	strace s9  }
0x27: {  	s1 =	sld [smem:$0x3FAE]  }
0x28: {  	s2 =	sld [smem:$0x3FAF]  }
0x29: {  	s4 =	sld [smem:$0x3FB1]  }
0x2a: {  	p0 =	seq.s32 s5, $0x0;
	s5 =	sld [smem:$0x3FB2]  }
0x2b: {  	s6 =	sld [smem:$0x3FB3]  }
0x2c: {  	s7 =	sld [smem:$0x3FB4]  }
0x2d: {  	s3 =	simm.s32 $0x108;
	s8 =	sld [smem:$0x3FB5]  }
0x2e: {  	s3 =	simm.s32 @!p0 $0x1082;
	s9 =	sld [smem:$0x3FB6]  }
0x2f: {  	lr =	sadd.s32 s0, s3;
	s0 =	sld [smem:$0x3FAD]  }
0x30: {  	s3 =	sld [smem:$0x3FB0]  }
0x31: {  	[smem:$0x3FB9] =	sst s10  }
0x32: {  	s10 =	sld [smem:$0x3FB7];
	_ =	sdelay $0x3  }
0x33: {  	p0 =	seq.s32 s10, $0x1;
	s10 =	sld [smem:$0x3FB9];
	_ =	sdelay $0x3  }
0x34: {  	[smem:$0x3FB9] =	sst s10  }
0x35: {  	s10 =	sld [smem:$0x3FB8];
	_ =	sdelay $0x3  }
0x36: {  	p1 =	seq.s32 s10, $0x1;
	s10 =	sld [smem:$0x3FB9];
	_ =	sdelay $0x3  }
0x37: {  	[smem:$0x3FB9] =	sst s10  }
0x38: {  	s10 =	sld [smem:$0x3FBA]  }
0x39: {  	_ = 	snop;
	(pc) =	sbr.ind lr, $3  }
0x3a: {  	_ = 	snop  }
0x3b: {  	_ = 	snop  }
0x3c: {  	p2 =	seq.s32 s10, $0x1;
	s10 =	sld [smem:$0x3FB9]  }
0x3d: {  	_ =	shalt  }
0x3e: {  	_ =	shalt  }
0x3f: {  	_ =	shalt  }
0x40: {  	_ =	shalt  }
0x41: {  	_ =	shalt  }
0x42: {  	_ =	shalt  }
0x43: {  	_ =	shalt  }
0x44: {  	_ =	shalt  }
0x45: {  	_ =	shalt  }
0x46: {  	_ =	shalt  }
0x47: {  	_ =	shalt  }
0x48: {  	_ =	shalt  }
0x49: {  	_ =	shalt  }
0x4a: {  	_ =	shalt  }
0x4b: {  	_ =	shalt  }
0x4c: {  	_ =	shalt  }
0x4d: {  	_ =	shalt  }
0x4e: {  	_ =	shalt  }
0x4f: {  	_ =	shalt  }
0x50: {  	_ =	shalt  }
0x51: {  	_ =	shalt  }
0x52: {  	_ =	shalt  }
0x53: {  	_ =	shalt  }
0x54: {  	_ =	shalt  }
0x55: {  	_ =	shalt  }
0x56: {  	_ =	shalt  }
0x57: {  	_ =	shalt  }
0x58: {  	_ =	shalt  }
0x59: {  	_ =	shalt  }
0x5a: {  	_ =	shalt  }
0x5b: {  	_ =	shalt  }
0x5c: {  	_ =	shalt  }
0x5d: {  	_ =	shalt  }
0x5e: {  	_ =	shalt  }
0x5f: {  	_ =	shalt  }
0x60: {  	_ =	shalt  }
0x61: {  	_ =	shalt  }
0x62: {  	_ =	shalt  }
0x63: {  	_ =	shalt  }
0x64: {  	_ =	shalt  }
0x65: {  	_ =	shalt  }
0x66: {  	_ =	shalt  }
0x67: {  	_ =	shalt  }
0x68: {  	_ =	shalt  }
0x69: {  	_ =	shalt  }
0x6a: {  	_ =	shalt  }
0x6b: {  	_ =	shalt  }
0x6c: {  	_ =	shalt  }
0x6d: {  	_ =	shalt  }
0x6e: {  	_ =	shalt  }
0x6f: {  	_ =	shalt  }
0x70: {  	_ =	shalt  }
0x71: {  	_ =	shalt  }
0x72: {  	_ =	shalt  }
0x73: {  	_ =	shalt  }
0x74: {  	_ =	shalt  }
0x75: {  	_ =	shalt  }
0x76: {  	_ =	shalt  }
0x77: {  	_ =	shalt  }
0x78: {  	_ =	shalt  }
0x79: {  	_ =	shalt  }
0x7a: {  	_ =	shalt  }
0x7b: {  	_ =	shalt  }
0x7c: {  	_ =	shalt  }
0x7d: {  	_ =	shalt  }
0x7e: {  	_ =	shalt  }
0x7f: {  	_ =	shalt  }
0x80: {  	_ =	shalt  }
0x81: {  	_ =	shalt  }
0x82: {  	_ =	shalt  }
0x83: {  	_ =	shalt  }
0x84: {  	_ =	shalt  }
0x85: {  	_ =	shalt  }
0x86: {  	_ =	shalt  }
0x87: {  	_ =	shalt  }
.Lfunc_end0:
.L_simem_size_0:
called_computation_lowered:
.L_overlay_start_0:
0x88: {  	s2 =	sld [smem:$0x3FD9]  }
0x89: {  	s3 =	sld [smem:$0x3FFE];
	_ =	sdelay $0x1  }
0x8a: {  	s1 =	srdreg.scid  }
0x8b: {  	s0 =	sand.u32 $0x1, s1  }
0x8c: {  	s18 =	sshll.u32 s0, $0xA;
	s2 =	sadd.s32 s3, s2  }
0x8d: {  	s2 =	sadd.s32 s2, s18  }
0x8e: {  	[smem:$0x3FC5] =	sst s2  }
0x8f: {  	_ = 	snop  }
0x90: {  	s2 =	sld [smem:$0x3FC9]  }
0x91: {  	s19 =	sld [smem:$0x3FC8]  }
0x92: {  	s4 =	sld [smem:$0x3FC7]  }
0x93: {  	s5 =	sld [smem:$0x3FD0];
	(tm) =	ssettm $0x1  }
0x94: {  	s6 =	sld [smem:$0x3FFB];
	_ =	sdelay $0x3  }
0x95: {  	_ =	strace s6  }
0x96: {  	s6 =	sld [smem:$0x3FFC];
	_ =	sdelay $0x3  }
0x97: {  	_ =	strace s6  }
0x98: {  	s6 =	sld [smem:$0x3FFD];
	_ =	sdelay $0x3  }
0x99: {  	_ =	strace s6  }
0x9a: {  	_ =	strace $0x8FFFFFFF  }
0x9b: {  	s20 =	sld [smem:$0x3FDB];
	_ =	sdelay $0x1  }
0x9c: {  	s7 =	simm.s32 $_scs_section_size  }
0x9d: {  	s8 =	simm.s32 $_size__tile_overlayer_lowered;
	s9 =	simm.s32 $_tile_overlayer_lowered  }
0x9e: {  	s23 =	simm.s32 $0x1BFF;
	s22 =	sshll.u32 s9, $0x1;
	s6 =	sadd.s32 s7, s20  }
0x9f: {  	s10 =	simm.s32 $0x0;
	s21 =	sshll.u32 s8, $0x1;
	s8 =	sadd.s32 s22, s6  }
0xa0: {  	[timem:s10], [sflag:s23] =	dma.local [hbm:s8], s21  }
0xa1: {  	_ =	swait.ge [sflag:s23], s21  }
0xa2: {  	s7 =	ssub.s32 $0x0, s21;
	[sflag:s23] =	ssyncset.done $0x0  }
0xa3: {  	[sflag:s23] =	ssyncadd.s32 s7;
	_ =	sdelay $0x1  }
0xa4: {  	s24 =	simm.s32 $0x1B8B  }
0xa5: {  	_ =	swait.ge [sflag:s24], $0x1  }
0xa6: {  	[sflag:s24] =	ssyncset.done $0x0  }
0xa7: {  	s25 =	simm.s32 $0x1B8E;
	[sflag:s24] =	ssyncadd.s32 $0xFFFFFFFF  }
0xa8: {  	s26 =	simm.s32 $execute0_lowered;
	[smem:$0x3FD2] =	sst s25  }
0xa9: {  	s7 =	sshll.u32 s26, $0x1;
	_ =	strace $0x80000046;
	[dreg:$0x1] =	wrdreg $0xFFFFFFFF  }
0xaa: {  	s28 =	simm.s32 $_size_execute0_lowered;
	s6 =	sadd.s32 s6, s7;
	[dreg:$0x0] =	wrdreg $0x0  }
0xab: {  	s7 =	sshll.u32 s28, $0x1;
	[dreg:$0x2] =	wrdreg s6  }
0xac: {  	[dreg:$0x3] =	wrdreg s7  }
0xad: {  	[dreg:$0x4] =	wrdreg $0xC0  }
0xae: {  	_ =	task [dreg:s10], $0x5FFFF  }
0xaf: {  	[dreg:$0x1] =	wrdreg $0xFFFFFFFF  }
0xb0: {  	[dreg:$0x0] =	wrdreg $0x60  }
0xb1: {  	[dreg:$0x2] =	wrdreg s2  }
0xb2: {  	[dreg:$0x3] =	wrdreg s19  }
0xb3: {  	[dreg:$0x4] =	wrdreg s4  }
0xb4: {  	[dreg:$0x5] =	wrdreg s5  }
0xb5: {  	[dreg:$0x6] =	wrdreg $0x68000  }
0xb6: {  	[dreg:$0x7] =	wrdreg $0x9  }
0xb7: {  	_ =	task.clear_ibuf [dreg:s10], $0x8FFFF;
	_ =	strace $0x90000046  }
0xb8: {  	s29 =	simm.s32 $0x9;
	_ =	strace $0x80000048  }
0xb9: {  	_ =	swait.ge [sflag:s29], $0x1  }
0xba: {  	[sflag:s29] =	ssyncadd.s32 $0xFFFFFFFF  }
0xbb: {  	_ =	strace $0x90000048  }
0xbc: {  	_ =	sfence  }
0xbd: {  	s30 =	sld [smem:$0x0];
	_ =	sdelay $0x2  }
0xbe: {  	s31 =	sshll.u32 s1, $0xD;
	s1 =	sshrl.u32 s1, $0x2  }
0xbf: {  	s3 =	sand.u32 $0x4000, s31;
	s1 =	sadd.s32 s1, s30  }
0xc0: {  	s0 =	sor.u32 s3, s0;
	s1 =	sshll.u32 s1, $0x11  }
0xc1: {  	s0 =	sor.u32 s1, s0  }
0xc2: {  	s0 =	sadd.s32 $0x8F2B, s0  }
0xc3: {  	[sflag:s0] =	ssyncadd.remote.s32 $0x1  }
0xc4: {  	_ =	sfence.sel $0xFFFF  }
0xc5: {  	[dreg:$0x0] =	wrdreg $0xFFFFFFFF;
	(pc) =	sbr.abs _section_cstart, $3  }
0xc6: {  	[dreg:$0x1] =	wrdreg $0xFFFFFFFF  }
0xc7: {  	_ =	task.clear_ibuf [dreg:s10], $0x2FFFF;
	_ =	strace $0x9FFFFFFF  }
0xc8: {  	(tm) =	ssettm $0x7FFFFFFF  }
0xc9: {  	_ =	shalt  }
tec
execute0_lowered:
.L_overlay_start_1:
0x0: {  	(tag) =	ssettag $0x1  }
0x1: {  	s7 =	rddreg [dreg:$0x0]  }
0x2: {  	s5 =	rddreg [dreg:$0x1]  }
0x3: {  	s1 =	rddreg [dreg:$0x2]  }
0x4: {  	s8 =	rddreg [dreg:$0x3]  }
0x5: {  	s2 =	rddreg [dreg:$0x4]  }
0x6: {  	s0 =	rddreg [dreg:$0x5];
	s4 =	simm.s32 $0x0  }
0x7: {  	s6 =	srdreg.scid;
	s3 =	stileid.u32;
	s14 =	simm.s32 $0x1  }
0x8: {  	s15 =	simm.s32 $0x2;
	s16 =	simm.s32 $0x0;
	[smem:$0x7FF] =	sst s4  }
0x9: {  	s6 =	sand.u32 $0x1, s6;
	s9 =	smul.u32 $0x2800, s3;
	s10 =	sshll.u32 s3, $0x1  }
0xa: {  	s12 =	smul.u32 $0x50000, s3;
	s31 =	sshll.u32 s3, $0x6;
	s11 =	ssub.s32 $0x2, s6  }
0xb: {  	s10 =	sor.u32 s6, s10;
	_ =	strace $0x80000047;
	s30 =	smul.u32 $0x28000, s6  }
0xc: {  	s6 =	sor.u32 $0x1C03, s31;
	s13 =	sshrl.u32 s11, $0x1;
	s10 =	smul.u32 $0x500, s10  }
0xd: {  	s12 =	sshrl.u32 s12, $0x2;
	s5 =	sadd.s32 s5, s9;
	s11 =	ssub.s32 s11, s13  }
0xe: {  	s12 =	sadd.s32 s12, s2;
	s9 =	sadd.s32 s9, s30;
	s13 =	simm.s32 $0x80  }
0xf: {  	s7 =	sadd.s32 s7, s10;
	s8 =	sadd.s32 s8, s9;
	s9 =	smax.u32 s11, $0x1  }
0x10: {  	s10 =	sshrl.u32 s12, $0x3;
	s11 =	simm.s32 $0x3;
	s12 =	simm.s32 $0x2800  }
.LBB2_1:
0x11: {  	[spmem:s10], [sflag:s6] =	dma.local [hbm:s5], $0x2800  }
0x12: {  	_ =	swait.ge [sflag:s11], $0x2800  }
0x13: {  	[sflag:s11] =	ssyncset.done $0x0  }
0x14: {  	[sflag:s11] =	ssyncadd.s32 $0xFFFFD800  }
0x15: {  	[tilespmem:s4], [sflag:$0x3] =	stream.linear.gather [hbm4b:s7+s4], $0x2800, $0x38;
	[tilespmem:$0x1A800] =	vst v63  }
0x16: {  	_ =	swait.ge [sflag:s11], $0x2800  }
0x17: {  	[sflag:s11] =	ssyncset.done $0x0  }
0x18: {  	[sflag:s11] =	ssyncadd.s32 $0xFFFFD800  }
0x19: {  	[tilespmem:s12], [sflag:$0x3] =	stream.linear.gather [hbm4b:s1+s4], $0x4000, $0x38;
	[tilespmem:$0x1A800] =	vst v63  }
0x1a: {  	_ =	swait.ge [sflag:s11], $0x4000  }
0x1b: {  	[sflag:s11] =	ssyncset.done $0x0  }
0x1c: {  	[sflag:s11] =	ssyncadd.s32 $0xFFFFC000  }
0x1d: {  	s17 =	simm.s32 $0x0;
	[bflag:$0x0] =	sbarrier.arrive $0xFFFF  }
0x1e: {  	[spmem:s2] =	stream.indirect.scatter.add.f32 [tilespmem:s12], [sflag:$0x1], $0x80, s17, s13, $0xb8;
	[tilespmem:$0x1A800] =	vst v63  }
0x1f: {  	s31 =	simm.s32 $0x80  }
0x20: {  	[spmem:s2] =	stream.indirect.scatter.add.f32 [tilespmem:s12], [sflag:$0x2], $0x80, s31, s13, $0xb8;
	[tilespmem:$0x1A800] =	vst v63  }
0x21: {  	_ =	swait.ge [sflag:s14], $0x4000  }
0x22: {  	[sflag:s14] =	ssyncset.done $0x0  }
0x23: {  	[sflag:s14] =	ssyncadd.s32 $0xFFFFC000  }
0x24: {  	_ =	swait.ge [sflag:s15], $0x4000  }
0x25: {  	s18 =	simm.s32 $0x800;
	s17 =	simm.s32 $0x400;
	[sflag:s15] =	ssyncset.done $0x0  }
.LBB2_2:
0x26: {  	s19 =	sshra.s32 s17, $0x2  }
0x27: {  	[sflag:s15] =	ssyncadd.s32 $0xFFFFC000;
	s17 =	smov.u32 s18;
	s20 =	sadd.s32 $0x400, s18  }
0x28: {  	[spmem:s2] =	stream.indirect.scatter.add.f32 [tilespmem:s12], [sflag:$0x1], $0x80, s19, s13, $0xb8;
	[tilespmem:$0x1A800] =	vst v63  }
0x29: {  	p0 =	sne.s32 s18, $0x9C00;
	s18 =	sadd.s32 $0x80, s19  }
0x2a: {  	[spmem:s2] =	stream.indirect.scatter.add.f32 [tilespmem:s12], [sflag:$0x2], $0x80, s18, s13, $0xb8;
	[tilespmem:$0x1A800] =	vst v63  }
.Ltmp0:
0x2b: {  	_ =	swait.ge [sflag:s14], $0x4000;
	(pc) =	sbr.rel @p0 .LBB2_2-.Ltmp0, $4  }
0x2c: {  	[sflag:s14] =	ssyncset.done $0x0  }
0x2d: {  	[sflag:s14] =	ssyncadd.s32 $0xFFFFC000  }
0x2e: {  	_ =	swait.ge [sflag:s15], $0x4000  }
0x2f: {  	s18 =	smov.u32 s20;
	[sflag:s15] =	ssyncset.done $0x0  }
0x30: {  	s17 =	sshra.s32 s17, $0x2;
	[sflag:s15] =	ssyncadd.s32 $0xFFFFC000  }
0x31: {  	[spmem:s2] =	stream.indirect.scatter.add.f32 [tilespmem:s12], [sflag:$0x1], $0x80, s17, s13, $0xb8;
	[tilespmem:$0x1A800] =	vst v63  }
0x32: {  	s17 =	sadd.s32 $0x80, s17  }
0x33: {  	[spmem:s2] =	stream.indirect.scatter.add.f32 [tilespmem:s12], [sflag:$0x2], $0x80, s17, s13, $0xb8;
	[tilespmem:$0x1A800] =	vst v63  }
0x34: {  	_ =	swait.ge [sflag:s14], $0x4000  }
0x35: {  	[sflag:s14] =	ssyncset.done $0x0  }
0x36: {  	[sflag:s14] =	ssyncadd.s32 $0xFFFFC000  }
0x37: {  	_ =	swait.ge [sflag:s15], $0x4000  }
0x38: {  	s16 =	sadd.s32 $0x1, s16;
	[sflag:s15] =	ssyncset.done $0x0  }
0x39: {  	p0 =	sne.s32 s16, s9;
	[sflag:s15] =	ssyncadd.s32 $0xFFFFC000  }
.Ltmp1:
0x3a: {  	[bflag:$0x0] =	sbarrier.arrive $0xFFFF;
	(pc) =	sbr.rel @p0 .LBB2_1-.Ltmp1, $4  }
0x3b: {  	[hbm:s8], [sflag:s6] =	dma.local [spmem:s10], $0x2800  }
0x3c: {  	_ =	swait.ge [sflag:s11], $0x2800  }
0x3d: {  	[sflag:s11] =	ssyncset.done $0x0  }
0x3e: {  	[sflag:s11] =	ssyncadd.s32 $0xFFFFD800  }
0x3f: {  	_ =	sfence.sel $0x180000  }
0x40: {  	[bflag:$0x0] =	sbarrier.arrive $0xFFFF  }
0x41: {  	p0 =	sne.s32 s3, $0x0;
	_ =	strace $0x90000047  }
0x42: {  	s0 =	sadd.s32 @!p0 $0x100000, s0;
	[bflag:$0x2] =	sbarrier.arrive $0xFFFF  }
0x43: {  	[sflag:s0] =	ssyncadd.tile.s32 @!p0 $0x1;
	_ =	shalt  }
.Lfunc_end2:
_tile_overlayer_lowered:
.L_overlay_start_2:
0x44: {  	(tag) =	ssettag $0x2  }
0x45: {  	s0 =	rddreg [dreg:$0x0];
	s2 =	stileid.u32  }
0x46: {  	s1 =	rddreg [dreg:$0x1];
	p0 =	sne.s32 s2, $0x0  }
0x47: {  	s3 =	rddreg [dreg:$0x2];
	[bflag:$0x3] =	sbarrier.arrive $0xFFFF;
	s2 =	simm.s32 @!p0 $0x1C03  }
0x48: {  	[timem:s3], [sflag:s2] =	dma.local @!p0 [hbm:s0], s1  }
0x49: {  	s0 =	simm.s32 @!p0 $0x3  }
0x4a: {  	_ =	swait.ge @!p0 [sflag:s0], s1  }
0x4b: {  	s1 =	ssub.s32 @!p0 $0x0, s1;
	[sflag:s0] =	ssyncset.done @!p0 $0x0  }
0x4c: {  	[sflag:s0] =	ssyncadd.s32 @!p0 s1  }
0x4d: {  	[bflag:$0x3] =	sbarrier.arrive $0xFFFF  }
0x4e: {  	_ =	shalt  }

</sc_bundles>
